<compile_context>
chip_gen: v7x
topology: tpu7x:2x2x1
jax: 0.10.2.dev20260603
libtpu: 0.0.44.dev20260713+nightly
codegen_flags: <defaults>
</compile_context>

<pallas_src>
import jax
import jax.numpy as jnp
from jax import lax
from jax.experimental import pallas as pl
from jax.experimental.pallas import tpu as pltpu
from jax.experimental.pallas import tpu_sc as plsc

_H = 128
_N = 10000
_E = 640000
_NCORES = 2
_NSUB = 16
_NW = _NCORES * _NSUB
_K = 80
_CHUNKS = _E // (_NW * _K)
_GC = 50
_NGROUP = _CHUNKS // _GC
_NZ = 10
_RPZ = _N // _NZ

_KC = 128
_CPT = 157
_EPAD = _NW * _CPT * _KC - _E
_NP = _N + 16


def _segsum_body(table_hbm, src_hbm, dst_hbm, zsum_hbm,
                 sums_hbm,
                 sidx, didx, rows_a, rows_b, rows_c, acc_sh,
                 gsem_a, gsem_b, gsem_c, ssem_a, ssem_b, ssem_c):
    c = lax.axis_index("c")
    s = lax.axis_index("s")
    wid = s * _NCORES + c

    @pl.when(s < _NZ)
    def _():
        row0 = s * _RPZ
        pltpu.sync_copy(zsum_hbm.at[pl.ds(row0, _RPZ), :],
                        acc_sh.at[pl.ds(row0, _RPZ), :])

    plsc.subcore_barrier()

    bufs = ((rows_a, gsem_a, ssem_a), (rows_b, gsem_b, ssem_b),
            (rows_c, gsem_c, ssem_c))

    def _group(g, _):
        pltpu.sync_copy(src_hbm.at[wid, g], sidx)
        pltpu.sync_copy(dst_hbm.at[wid, g], didx)
        pltpu.async_copy(table_hbm.at[sidx.at[0]], rows_a, gsem_a)
        pltpu.async_copy(table_hbm.at[sidx.at[1]], rows_b, gsem_b)
        for j in range(_GC):
            buf, gsem, ssem = bufs[j % 3]
            if j + 2 < _GC:
                nbuf, ngsem, nssem = bufs[(j + 2) % 3]
                if j >= 1:
                    pltpu.make_async_copy(
                        nbuf, acc_sh.at[didx.at[j - 1]], nssem).wait()
                pltpu.async_copy(table_hbm.at[sidx.at[j + 2]], nbuf, ngsem)
            pltpu.make_async_copy(table_hbm.at[sidx.at[j]], buf, gsem).wait()
            pltpu.async_copy(buf, acc_sh.at[didx.at[j]], ssem, add=True)
        for j in range(_GC - 3, _GC):
            buf, _, ssem = bufs[j % 3]
            pltpu.make_async_copy(buf, acc_sh.at[didx.at[j]], ssem).wait()
        return 0

    lax.fori_loop(0, _NGROUP, _group, 0)
    plsc.subcore_barrier()

    @pl.when(s < _NZ)
    def _():
        row0 = s * _RPZ
        pltpu.sync_copy(acc_sh.at[pl.ds(row0, _RPZ), :],
                        sums_hbm.at[c, pl.ds(row0, _RPZ), :])


@jax.jit
def _segsum(table, src3, dst3, zsum):
    mesh = plsc.VectorSubcoreMesh(core_axis_name="c", subcore_axis_name="s")
    return pl.kernel(
        _segsum_body,
        out_type=jax.ShapeDtypeStruct((_NCORES, _N, _H), jnp.float32),
        mesh=mesh,
        scratch_types=[
            pltpu.VMEM((_GC, _K), jnp.int32),
            pltpu.VMEM((_GC, _K), jnp.int32),
            pltpu.VMEM((_K, _H), jnp.float32),
            pltpu.VMEM((_K, _H), jnp.float32),
            pltpu.VMEM((_K, _H), jnp.float32),
            pltpu.VMEM_SHARED((_N, _H), jnp.float32),
        ] + [pltpu.SemaphoreType.DMA] * 6,
    )(table, src3, dst3, zsum)


def _counts_body(dstv_hbm, dstc_hbm, zcnt_hbm,
                 cntv_hbm, cntc_hbm,
                 didx, ones, cnt_sh, stg_sem, csem):
    c = lax.axis_index("c")
    s = lax.axis_index("s")
    wid = s * _NCORES + c

    for i in range(_KC // 16):
        ones[pl.ds(i * 16, 16)] = jnp.ones((16,), jnp.float32)

    for d_hbm, out_hbm in ((dstv_hbm, cntv_hbm), (dstc_hbm, cntc_hbm)):
        @pl.when(s == 0)
        def _():
            pltpu.sync_copy(zcnt_hbm, cnt_sh)

        pltpu.async_copy(d_hbm.at[wid], didx, stg_sem)
        pltpu.make_async_copy(d_hbm.at[wid], didx, stg_sem).wait()
        plsc.subcore_barrier()

        def _fire(j, _):
            pltpu.async_copy(ones, cnt_sh.at[didx.at[j]], csem, add=True)
            return 0

        def _fire_drain(j, _):
            pltpu.async_copy(ones, cnt_sh.at[didx.at[j]], csem, add=True)
            pltpu.make_async_copy(ones, cnt_sh.at[didx.at[j - 8]], csem).wait()
            return 0

        lax.fori_loop(0, 8, _fire, 0)
        lax.fori_loop(8, _CPT, _fire_drain, 0)
        lax.fori_loop(_CPT - 8, _CPT, lambda j, _: (
            pltpu.make_async_copy(ones, cnt_sh.at[didx.at[j]], csem).wait(),
            0)[1], 0)
        plsc.subcore_barrier()

        @pl.when(s == 0)
        def _():
            pltpu.sync_copy(cnt_sh, out_hbm.at[c])

        plsc.subcore_barrier()


@jax.jit
def _counts(dstv4, dstc4, zcnt):
    mesh = plsc.VectorSubcoreMesh(core_axis_name="c", subcore_axis_name="s")
    return pl.kernel(
        _counts_body,
        out_type=(jax.ShapeDtypeStruct((_NCORES, _NP), jnp.float32),
                  jax.ShapeDtypeStruct((_NCORES, _NP), jnp.float32)),
        mesh=mesh,
        scratch_types=[
            pltpu.VMEM((_CPT, _KC), jnp.int32),
            pltpu.VMEM((_KC,), jnp.float32),
            pltpu.VMEM_SHARED((_NP,), jnp.float32),
            pltpu.SemaphoreType.DMA,
            pltpu.SemaphoreType.DMA,
        ],
    )(dstv4, dstc4, zcnt)


_BLK = 2000
_GRID = _N // _BLK


def _ln(x, g, b):
    m = jnp.mean(x, axis=-1, keepdims=True)
    v = jnp.mean((x - m) ** 2, axis=-1, keepdims=True)
    return (x - m) * jax.lax.rsqrt(v + 1e-5) * g + b


def _proj_body(xvar, xcon, wvT, bv, gv, bvn, wcT, bc, gc, bcn, xv_o, xc_o):
    hv = jax.nn.relu(jnp.dot(xvar[...], wvT[...],
                             preferred_element_type=jnp.float32) + bv[...])
    xv_o[...] = _ln(hv, gv[...], bvn[...])
    hc = jax.nn.relu(jnp.dot(xcon[...], wcT[...],
                             preferred_element_type=jnp.float32) + bc[...])
    xc_o[...] = _ln(hc, gc[...], bcn[...])


def _v2c_body(sums, cnts, xcon, xc, wmT, bm, wuT, wub, bu, gl, bl,
              wg1T, wg2T, bg, out):
    sp = sums[...]
    S = sp[0] + sp[1]
    cp = cnts[...]
    cnt = cp[0] + cp[1]
    agg = (jnp.dot(S, wmT[...], preferred_element_type=jnp.float32)
           + cnt * bm[...]) / (cnt + 1e-6)
    h = (jnp.dot(agg, wuT[...], preferred_element_type=jnp.float32)
         + xcon[...] * wub[...] + bu[...])
    con_new = _ln(jax.nn.relu(h), gl[...], bl[...])
    xc_v = xc[...]
    g = jax.nn.sigmoid(
        jnp.dot(xc_v, wg1T[...], preferred_element_type=jnp.float32)
        + jnp.dot(con_new, wg2T[...], preferred_element_type=jnp.float32)
        + bg[...])
    out[...] = g * con_new + (1.0 - g) * xc_v


def _c2v_body(sums, cnts, xv, wmT, bm, gl, bl, wg1T, wg2T, bg, out):
    sp = sums[...]
    S = sp[0] + sp[1]
    cp = cnts[...]
    cnt = cp[0] + cp[1]
    agg = (jnp.dot(S, wmT[...], preferred_element_type=jnp.float32)
           + cnt * bm[...]) / (cnt + 1e-6)
    var_new = _ln(jax.nn.relu(agg), gl[...], bl[...])
    xv_v = xv[...]
    g = jax.nn.sigmoid(
        jnp.dot(xv_v, wg1T[...], preferred_element_type=jnp.float32)
        + jnp.dot(var_new, wg2T[...], preferred_element_type=jnp.float32)
        + bg[...])
    out[...] = g * var_new + (1.0 - g) * xv_v


def _rows(blk_last):
    return pl.BlockSpec((_BLK, blk_last), lambda i: (i, 0))


def _prows(blk_last):
    return pl.BlockSpec((2, _BLK, blk_last), lambda i: (0, i, 0))


def _w(shape):
    return pl.BlockSpec(shape, lambda i: tuple(0 for _ in shape))


@jax.jit
def _tc_proj(x_var, x_con, wvT, bv, gv, bvn, wcT, bc, gc, bcn):
    return pl.pallas_call(
        _proj_body,
        grid=(_GRID,),
        in_specs=[_rows(4), _rows(1),
                  _w((4, _H)), _w((1, _H)), _w((1, _H)), _w((1, _H)),
                  _w((1, _H)), _w((1, _H)), _w((1, _H)), _w((1, _H))],
        out_specs=[_rows(_H), _rows(_H)],
        out_shape=[jax.ShapeDtypeStruct((_N, _H), jnp.float32),
                   jax.ShapeDtypeStruct((_N, _H), jnp.float32)],
    )(x_var, x_con, wvT, bv, gv, bvn, wcT, bc, gc, bcn)


@jax.jit
def _tc_v2c(sums, cnts, x_con, xc, wmT, bm, wuT, wub, bu, gl, bl,
            wg1T, wg2T, bg):
    return pl.pallas_call(
        _v2c_body,
        grid=(_GRID,),
        in_specs=[_prows(_H), _prows(1), _rows(1), _rows(_H),
                  _w((_H, _H)), _w((1, _H)), _w((_H, _H)), _w((1, _H)),
                  _w((1, _H)), _w((1, _H)), _w((1, _H)),
                  _w((_H, _H)), _w((_H, _H)), _w((1, _H))],
        out_specs=_rows(_H),
        out_shape=jax.ShapeDtypeStruct((_N, _H), jnp.float32),
    )(sums, cnts, x_con, xc, wmT, bm, wuT, wub, bu, gl, bl, wg1T, wg2T, bg)


@jax.jit
def _tc_c2v(sums, cnts, xv, wmT, bm, gl, bl, wg1T, wg2T, bg):
    return pl.pallas_call(
        _c2v_body,
        grid=(_GRID,),
        in_specs=[_prows(_H), _prows(1), _rows(_H),
                  _w((_H, _H)), _w((1, _H)), _w((1, _H)), _w((1, _H)),
                  _w((_H, _H)), _w((_H, _H)), _w((1, _H))],
        out_specs=_rows(_H),
        out_shape=jax.ShapeDtypeStruct((_N, _H), jnp.float32),
    )(sums, cnts, xv, wmT, bm, gl, bl, wg1T, wg2T, bg)


def kernel(x_var, x_con, e_var_con, e_con_var, params):
    p = params
    r2 = lambda b: b.reshape(1, _H)

    wvT = p["var_proj"][0].T
    bv = r2(p["var_proj"][1])
    gv, bvn = r2(p["var_norm"][0]), r2(p["var_norm"][1])
    wcT = p["con_proj"][0].T
    bc = r2(p["con_proj"][1])
    gc, bcn = r2(p["con_norm"][0]), r2(p["con_norm"][1])

    wmT = p["v2c_msg"][0].T
    bm = r2(p["v2c_msg"][1])
    wu = p["v2c_upd"][0]
    wuT = wu[:, :_H].T
    wub = wu[:, _H].reshape(1, _H)
    bu = r2(p["v2c_upd"][1])
    gl_c, bl_c = r2(p["v2c_ln"][0]), r2(p["v2c_ln"][1])
    wg_c = p["con_gate"][0]
    wg1T_c, wg2T_c = wg_c[:, :_H].T, wg_c[:, _H:].T
    bg_c = r2(p["con_gate"][1])

    wm2T = p["c2v_msg"][0].T
    bm2 = r2(p["c2v_msg"][1])
    gl_v, bl_v = r2(p["c2v_ln"][0]), r2(p["c2v_ln"][1])
    wg_v = p["var_gate"][0]
    wg1T_v, wg2T_v = wg_v[:, :_H].T, wg_v[:, _H:].T
    bg_v = r2(p["var_gate"][1])

    eshape = (_NW, _NGROUP, _GC, _K)
    src_v = e_var_con[0].astype(jnp.int32).reshape(eshape)
    dst_v = e_var_con[1].astype(jnp.int32).reshape(eshape)
    src_c = e_con_var[0].astype(jnp.int32).reshape(eshape)
    dst_c = e_con_var[1].astype(jnp.int32).reshape(eshape)
    zsum = jnp.zeros((_N, _H), jnp.float32)
    zcnt = jnp.zeros((_NP,), jnp.float32)

    pad = jnp.full((_EPAD,), _N, jnp.int32)
    cshape = (_NW, _CPT, _KC)
    dv4 = jnp.concatenate([e_var_con[1].astype(jnp.int32), pad]).reshape(cshape)
    dc4 = jnp.concatenate([e_con_var[1].astype(jnp.int32), pad]).reshape(cshape)
    cv, cc = _counts(dv4, dc4, zcnt)
    cnts_v = cv[:, :_N, None]
    cnts_c = cc[:, :_N, None]

    xv, xc = _tc_proj(x_var, x_con, wvT, bv, gv, bvn, wcT, bc, gc, bcn)

    for _ in range(2):
        sums = _segsum(xv, src_v, dst_v, zsum)
        xc = _tc_v2c(sums, cnts_v, x_con, xc,
                     wmT, bm, wuT, wub, bu, gl_c, bl_c,
                     wg1T_c, wg2T_c, bg_c)
        sums2 = _segsum(xc, src_c, dst_c, zsum)
        xv = _tc_c2v(sums2, cnts_c, xv,
                     wm2T, bm2, gl_v, bl_v, wg1T_v, wg2T_v, bg_v)
    return xv

# --- scband reference (transcript-rebuilt; emitter-appended) ---
"""Pipeline reference for scband-hypergraph-gnn-39298950759065 (READ-ONLY COPY).

The authoritative reference and input builder live on the scoring server;
editing this copy changes nothing except your own understanding.
"""

import jax, jax.numpy as jnp
import numpy as np

NV = 10000
NC = 10000
E = 640000
H = 128
VD = 4
CD = 1
ROUNDS = 2


def _lin(x, W, b):
    return x @ W.T + b


def _ln(x, g, b):
    m = x.mean(-1, keepdims=True)
    v = ((x - m) ** 2).mean(-1, keepdims=True)
    return (x - m) / jnp.sqrt(v + 1e-5) * g + b


def setup_inputs(seed: int = 0) -> dict:
    key = jax.random.key(seed)
    ks = jax.random.split(key, 12)
    x_var = jax.random.normal(ks[0], (NV, VD), dtype=jnp.float32)
    x_con = jax.random.uniform(ks[1], (NC, CD), dtype=jnp.float32)
    e_var_con = jax.random.randint(ks[2], (2, E), 0, NV)
    e_con_var = jax.random.randint(ks[3], (2, E), 0, NC)

    def w(k, o, i):
        return jax.random.normal(k, (o, i), dtype=jnp.float32) * 0.02

    params = {
        "var_proj": (w(ks[4], H, VD), jnp.zeros(H, jnp.float32)),
        "con_proj": (w(ks[5], H, CD), jnp.zeros(H, jnp.float32)),
        "v2c_msg": (w(ks[6], H, H), jnp.zeros(H, jnp.float32)),
        "v2c_upd": (w(ks[7], H, H + 1), jnp.zeros(H, jnp.float32)),
        "v2c_ln": (jnp.ones(H, jnp.float32), jnp.zeros(H, jnp.float32)),
        "c2v_msg": (w(ks[8], H, H), jnp.zeros(H, jnp.float32)),
        "c2v_ln": (jnp.ones(H, jnp.float32), jnp.zeros(H, jnp.float32)),
        "var_gate": (w(ks[9], H, 2 * H), jnp.zeros(H, jnp.float32)),
        "con_gate": (w(ks[10], H, 2 * H), jnp.zeros(H, jnp.float32)),
        "var_norm": (jnp.ones(H, jnp.float32), jnp.zeros(H, jnp.float32)),
        "con_norm": (jnp.ones(H, jnp.float32), jnp.zeros(H, jnp.float32)),
    }
    return {"x_var": x_var, "x_con": x_con, "e_var_con": e_var_con,
            "e_con_var": e_con_var, "params": params}


def reference(x_var, x_con, e_var_con, e_con_var, params):
    p = params
    num_var = x_var.shape[0]
    num_con = x_con.shape[0]
    xv = _ln(jax.nn.relu(_lin(x_var, *p["var_proj"])), *p["var_norm"])
    xc = _ln(jax.nn.relu(_lin(x_con, *p["con_proj"])), *p["con_norm"])
    clue = x_con.squeeze(-1)
    for _ in range(ROUNDS):
        # var -> con
        src, dst = e_var_con[0], e_var_con[1]
        msg = _lin(xv[src], *p["v2c_msg"])
        cnt = jnp.bincount(dst, length=num_con)
        agg = jnp.zeros((num_con, msg.shape[1]), dtype=msg.dtype).at[dst].add(msg)
        agg = agg / (cnt[:, None].astype(jnp.float32) + 1e-6)
        agg = jnp.concatenate([agg, clue[:, None]], axis=1)
        con_new = _ln(jax.nn.relu(_lin(agg, *p["v2c_upd"])), *p["v2c_ln"])
        g = jax.nn.sigmoid(_lin(jnp.concatenate([xc, con_new], axis=1), *p["con_gate"]))
        xc = g * con_new + (1 - g) * xc
        # con -> var
        src2, dst2 = e_con_var[0], e_con_var[1]
        msg2 = _lin(xc[src2], *p["c2v_msg"])
        cnt2 = jnp.bincount(dst2, length=num_var)
        agg2 = jnp.zeros((num_var, msg2.shape[1]), dtype=msg2.dtype).at[dst2].add(msg2)
        agg2 = agg2 / (cnt2[:, None].astype(jnp.float32) + 1e-6)
        var_new = _ln(jax.nn.relu(agg2), *p["c2v_ln"])
        g2 = jax.nn.sigmoid(_lin(jnp.concatenate([xv, var_new], axis=1), *p["var_gate"]))
        xv = g2 * var_new + (1 - g2) * xv
    return xv

if __name__ == "__main__":
    import jax
    _d = setup_inputs()
    print(jax.jit(kernel)(*tuple(_d.values())))

</pallas_src>

<mosaic_0001>
#map = affine_map<(d0, d1) -> (0, 0, 0)>
#map1 = affine_map<(d0, d1) -> (0)>
#map2 = affine_map<(d0, d1) -> (0, 0)>
module attributes {stable_mosaic.version = 14 : i64} {
  func.func @_counts_body(%arg0: i32, %arg1: i32, %arg2: memref<32x157x128xi32, #tpu.memory_space<hbm>>, %arg3: memref<32x157x128xi32, #tpu.memory_space<hbm>>, %arg4: memref<10016xf32, #tpu.memory_space<hbm>>, %arg5: memref<2x10016xf32, #tpu.memory_space<hbm>>, %arg6: memref<2x10016xf32, #tpu.memory_space<hbm>>, %arg7: memref<157x128xi32, #tpu.memory_space<vmem>>, %arg8: memref<128xf32, #tpu.memory_space<vmem>>, %arg9: memref<10016xf32, #tpu.memory_space<vmem_shared>>, %arg10: memref<!tpu.dma_semaphore, #tpu.memory_space<semaphore_mem>>, %arg11: memref<!tpu.dma_semaphore, #tpu.memory_space<semaphore_mem>>) attributes {dimension_semantics = [#tpu.dimension_semantics<core_parallel>, #tpu.dimension_semantics<subcore_parallel>], iteration_bounds = array<i64: 2, 16>, scalar_prefetch = 0 : i64, scratch_operands = 5 : i64, tpu.core_type = #tpu.core_type<sc_vector_subcore>, window_params = [{transform_indices = #map}, {transform_indices = #map}, {transform_indices = #map1}, {transform_indices = #map2}, {transform_indices = #map2}]} {
    %mul3A = arith.constant 2 : i32
    %mul3A_0 = arith.muli %arg1, %mul3A : i32
    %add3A = arith.addi %mul3A_0, %arg0 : i32
    %broadcast_in_dim3A = arith.constant 1.000000e+00 : f32
    %broadcast_in_dim3A_1 = vector.broadcast %broadcast_in_dim3A : f32 to vector<16xf32>
    %swap3A = arith.constant 0 : index
    %swap3A_2 = tpu.vector_load %arg8[%swap3A] {strides = array<i32>} : memref<128xf32, #tpu.memory_space<vmem>>, vector<16xf32>,
    %swap3A_3 = vector.shape_cast %swap3A_2 : vector<16xf32> to vector<16xf32>
    %swap3A_4 = vector.shape_cast %broadcast_in_dim3A_1 : vector<16xf32> to vector<16xf32>
    tpu.vector_store %arg8[%swap3A], %swap3A_4 {strides = array<i32>} : memref<128xf32, #tpu.memory_space<vmem>>, vector<16xf32>,
    %broadcast_in_dim3A_5 = arith.constant 1.000000e+00 : f32
    %broadcast_in_dim3A_6 = vector.broadcast %broadcast_in_dim3A_5 : f32 to vector<16xf32>
    %swap3A_7 = arith.constant 16 : index
    %swap3A_8 = tpu.vector_load %arg8[%swap3A_7] {strides = array<i32>} : memref<128xf32, #tpu.memory_space<vmem>>, vector<16xf32>,
    %swap3A_9 = vector.shape_cast %swap3A_8 : vector<16xf32> to vector<16xf32>
    %swap3A_10 = vector.shape_cast %broadcast_in_dim3A_6 : vector<16xf32> to vector<16xf32>
    tpu.vector_store %arg8[%swap3A_7], %swap3A_10 {strides = array<i32>} : memref<128xf32, #tpu.memory_space<vmem>>, vector<16xf32>,
    %broadcast_in_dim3A_11 = arith.constant 1.000000e+00 : f32
    %broadcast_in_dim3A_12 = vector.broadcast %broadcast_in_dim3A_11 : f32 to vector<16xf32>
    %swap3A_13 = arith.constant 32 : index
    %swap3A_14 = tpu.vector_load %arg8[%swap3A_13] {strides = array<i32>} : memref<128xf32, #tpu.memory_space<vmem>>, vector<16xf32>,
    %swap3A_15 = vector.shape_cast %swap3A_14 : vector<16xf32> to vector<16xf32>
    %swap3A_16 = vector.shape_cast %broadcast_in_dim3A_12 : vector<16xf32> to vector<16xf32>
    tpu.vector_store %arg8[%swap3A_13], %swap3A_16 {strides = array<i32>} : memref<128xf32, #tpu.memory_space<vmem>>, vector<16xf32>,
    %broadcast_in_dim3A_17 = arith.constant 1.000000e+00 : f32
    %broadcast_in_dim3A_18 = vector.broadcast %broadcast_in_dim3A_17 : f32 to vector<16xf32>
    %swap3A_19 = arith.constant 48 : index
    %swap3A_20 = tpu.vector_load %arg8[%swap3A_19] {strides = array<i32>} : memref<128xf32, #tpu.memory_space<vmem>>, vector<16xf32>,
    %swap3A_21 = vector.shape_cast %swap3A_20 : vector<16xf32> to vector<16xf32>
    %swap3A_22 = vector.shape_cast %broadcast_in_dim3A_18 : vector<16xf32> to vector<16xf32>
    tpu.vector_store %arg8[%swap3A_19], %swap3A_22 {strides = array<i32>} : memref<128xf32, #tpu.memory_space<vmem>>, vector<16xf32>,
    %broadcast_in_dim3A_23 = arith.constant 1.000000e+00 : f32
    %broadcast_in_dim3A_24 = vector.broadcast %broadcast_in_dim3A_23 : f32 to vector<16xf32>
    %swap3A_25 = arith.constant 64 : index
    %swap3A_26 = tpu.vector_load %arg8[%swap3A_25] {strides = array<i32>} : memref<128xf32, #tpu.memory_space<vmem>>, vector<16xf32>,
    %swap3A_27 = vector.shape_cast %swap3A_26 : vector<16xf32> to vector<16xf32>
    %swap3A_28 = vector.shape_cast %broadcast_in_dim3A_24 : vector<16xf32> to vector<16xf32>
    tpu.vector_store %arg8[%swap3A_25], %swap3A_28 {strides = array<i32>} : memref<128xf32, #tpu.memory_space<vmem>>, vector<16xf32>,
    %broadcast_in_dim3A_29 = arith.constant 1.000000e+00 : f32
    %broadcast_in_dim3A_30 = vector.broadcast %broadcast_in_dim3A_29 : f32 to vector<16xf32>
    %swap3A_31 = arith.constant 80 : index
    %swap3A_32 = tpu.vector_load %arg8[%swap3A_31] {strides = array<i32>} : memref<128xf32, #tpu.memory_space<vmem>>, vector<16xf32>,
    %swap3A_33 = vector.shape_cast %swap3A_32 : vector<16xf32> to vector<16xf32>
    %swap3A_34 = vector.shape_cast %broadcast_in_dim3A_30 : vector<16xf32> to vector<16xf32>
    tpu.vector_store %arg8[%swap3A_31], %swap3A_34 {strides = array<i32>} : memref<128xf32, #tpu.memory_space<vmem>>, vector<16xf32>,
    %broadcast_in_dim3A_35 = arith.constant 1.000000e+00 : f32
    %broadcast_in_dim3A_36 = vector.broadcast %broadcast_in_dim3A_35 : f32 to vector<16xf32>
    %swap3A_37 = arith.constant 96 : index
    %swap3A_38 = tpu.vector_load %arg8[%swap3A_37] {strides = array<i32>} : memref<128xf32, #tpu.memory_space<vmem>>, vector<16xf32>,
    %swap3A_39 = vector.shape_cast %swap3A_38 : vector<16xf32> to vector<16xf32>
    %swap3A_40 = vector.shape_cast %broadcast_in_dim3A_36 : vector<16xf32> to vector<16xf32>
    tpu.vector_store %arg8[%swap3A_37], %swap3A_40 {strides = array<i32>} : memref<128xf32, #tpu.memory_space<vmem>>, vector<16xf32>,
    %broadcast_in_dim3A_41 = arith.constant 1.000000e+00 : f32
    %broadcast_in_dim3A_42 = vector.broadcast %broadcast_in_dim3A_41 : f32 to vector<16xf32>
    %swap3A_43 = arith.constant 112 : index
    %swap3A_44 = tpu.vector_load %arg8[%swap3A_43] {strides = array<i32>} : memref<128xf32, #tpu.memory_space<vmem>>, vector<16xf32>,
    %swap3A_45 = vector.shape_cast %swap3A_44 : vector<16xf32> to vector<16xf32>
    %swap3A_46 = vector.shape_cast %broadcast_in_dim3A_42 : vector<16xf32> to vector<16xf32>
    tpu.vector_store %arg8[%swap3A_43], %swap3A_46 {strides = array<i32>} : memref<128xf32, #tpu.memory_space<vmem>>, vector<16xf32>,
    %eq3A = arith.constant 0 : i32
    %eq3A_47 = arith.cmpi eq, %arg1, %eq3A : i32
    %convert_element_type3A = arith.extui %eq3A_47 : i1 to i32
    %cond3A = arith.constant 0 : i32
    %cond3A_48 = arith.cmpi ne, %convert_element_type3A, %cond3A : i32
    scf.if %cond3A_48 {
      "tpu.region"() ({
        %run_scoped3A = tpu.sem_alloc : memref<!tpu.dma_semaphore, #tpu.memory_space<semaphore_mem>>
        tpu.enqueue_dma source(%arg4 : memref<10016xf32, #tpu.memory_space<hbm>>) target(%arg9 : memref<10016xf32, #tpu.memory_space<vmem_shared>>) target_semaphore(%run_scoped3A : memref<!tpu.dma_semaphore, #tpu.memory_space<semaphore_mem>>)
        tpu.wait_dma2 semaphore(%run_scoped3A : memref<!tpu.dma_semaphore, #tpu.memory_space<semaphore_mem>>) src(%arg4 : memref<10016xf32, #tpu.memory_space<hbm>>) dst(%arg9 : memref<10016xf32, #tpu.memory_space<vmem_shared>>)
        tpu.yield
      }) : () -> ()
    } else {
    }
    %dma_start3A = arith.constant 0 : i32
    %dma_start3A_49 = arith.constant 0 : i32
    %dma_start3A_50 = tpu.memref_slice %arg2[%add3A, %dma_start3A, %dma_start3A_49] : memref<32x157x128xi32, #tpu.memory_space<hbm>> -> memref<1x157x128xi32, #tpu.memory_space<hbm>>
    %dma_start3A_51 = tpu.memref_squeeze %dma_start3A_50 : memref<1x157x128xi32, #tpu.memory_space<hbm>> -> memref<157x128xi32, #tpu.memory_space<hbm>>
    %dma_start3A_52 = arith.constant 0 : i32
    %dma_start3A_53 = arith.constant 0 : i32
    %dma_start3A_54 = tpu.memref_slice %arg2[%add3A, %dma_start3A_52, %dma_start3A_53] : memref<32x157x128xi32, #tpu.memory_space<hbm>> -> memref<1x157x128xi32, #tpu.memory_space<hbm>>
    %dma_start3A_55 = tpu.memref_squeeze %dma_start3A_54 : memref<1x157x128xi32, #tpu.memory_space<hbm>> -> memref<157x128xi32, #tpu.memory_space<hbm>>
    tpu.enqueue_dma source(%dma_start3A_55 : memref<157x128xi32, #tpu.memory_space<hbm>>) target(%arg7 : memref<157x128xi32, #tpu.memory_space<vmem>>) target_semaphore(%arg10 : memref<!tpu.dma_semaphore, #tpu.memory_space<semaphore_mem>>)
    %dma_wait3A = arith.constant 0 : i32
    %dma_wait3A_56 = arith.constant 0 : i32
    %dma_wait3A_57 = tpu.memref_slice %arg2[%add3A, %dma_wait3A, %dma_wait3A_56] : memref<32x157x128xi32, #tpu.memory_space<hbm>> -> memref<1x157x128xi32, #tpu.memory_space<hbm>>
    %dma_wait3A_58 = tpu.memref_squeeze %dma_wait3A_57 : memref<1x157x128xi32, #tpu.memory_space<hbm>> -> memref<157x128xi32, #tpu.memory_space<hbm>>
    %dma_wait3A_59 = arith.constant 0 : i32
    %dma_wait3A_60 = arith.constant 0 : i32
    %dma_wait3A_61 = tpu.memref_slice %arg2[%add3A, %dma_wait3A_59, %dma_wait3A_60] : memref<32x157x128xi32, #tpu.memory_space<hbm>> -> memref<1x157x128xi32, #tpu.memory_space<hbm>>
    %dma_wait3A_62 = tpu.memref_squeeze %dma_wait3A_61 : memref<1x157x128xi32, #tpu.memory_space<hbm>> -> memref<157x128xi32, #tpu.memory_space<hbm>>
    tpu.wait_dma2 semaphore(%arg10 : memref<!tpu.dma_semaphore, #tpu.memory_space<semaphore_mem>>) src(%dma_wait3A_62 : memref<157x128xi32, #tpu.memory_space<hbm>>) dst(%arg7 : memref<157x128xi32, #tpu.memory_space<vmem>>)
    %barrier3A = arith.constant 0 : index
    tpu.barrier barrier_id(%barrier3A)
    %scan3A = arith.constant 0 : i32
    %scan3A_63 = arith.constant 0 : i32
    %scan3A_64 = arith.constant 8 : i32
    %scan3A_65 = arith.addi %scan3A_63, %scan3A_64 : i32
    %scan3A_66 = arith.constant 1 : i32
    %scan3A_67 = scf.for %scan3A_140 = %scan3A_63 to %scan3A_65 step %scan3A_66 iter_args(%scan3A_141 = %scan3A) -> (i32)  : i32 {
      %dma_start3A_142 = arith.constant 0 : i32
      %dma_start3A_143 = tpu.memref_slice %arg7[%scan3A_140, %dma_start3A_142] : memref<157x128xi32, #tpu.memory_space<vmem>> -> memref<1x128xi32, #tpu.memory_space<vmem>>
      %dma_start3A_144 = tpu.memref_squeeze %dma_start3A_143 : memref<1x128xi32, #tpu.memory_space<vmem>> -> memref<128xi32, #tpu.memory_space<vmem>>
      %dma_start3A_145 = arith.constant 0 : i32
      %dma_start3A_146 = tpu.memref_slice %arg9[%dma_start3A_145] : memref<10016xf32, #tpu.memory_space<vmem_shared>> -> memref<10016xf32, #tpu.memory_space<vmem_shared>>
      tpu.enqueue_indirect_dma source(%arg8 : memref<128xf32, #tpu.memory_space<vmem>>) target(%dma_start3A_146 : memref<10016xf32, #tpu.memory_space<vmem_shared>>) offsets(%dma_start3A_144 : memref<128xi32, #tpu.memory_space<vmem>>) semaphore(%arg11 : memref<!tpu.dma_semaphore, #tpu.memory_space<semaphore_mem>>) {add = true}
      %scan3A_147 = arith.constant 0 : i32
      scf.yield %scan3A_147 : i32
    }
    %scan3A_68 = arith.constant 8 : i32
    %scan3A_69 = arith.constant 0 : i32
    %scan3A_70 = arith.constant 8 : i32
    %scan3A_71 = arith.constant 149 : i32
    %scan3A_72 = arith.addi %scan3A_70, %scan3A_71 : i32
    %scan3A_73 = arith.constant 1 : i32
    %scan3A_74 = scf.for %scan3A_140 = %scan3A_70 to %scan3A_72 step %scan3A_73 iter_args(%scan3A_141 = %scan3A_69) -> (i32)  : i32 {
      %dma_start3A_142 = arith.constant 0 : i32
      %dma_start3A_143 = tpu.memref_slice %arg7[%scan3A_140, %dma_start3A_142] : memref<157x128xi32, #tpu.memory_space<vmem>> -> memref<1x128xi32, #tpu.memory_space<vmem>>
      %dma_start3A_144 = tpu.memref_squeeze %dma_start3A_143 : memref<1x128xi32, #tpu.memory_space<vmem>> -> memref<128xi32, #tpu.memory_space<vmem>>
      %dma_start3A_145 = arith.constant 0 : i32
      %dma_start3A_146 = tpu.memref_slice %arg9[%dma_start3A_145] : memref<10016xf32, #tpu.memory_space<vmem_shared>> -> memref<10016xf32, #tpu.memory_space<vmem_shared>>
      tpu.enqueue_indirect_dma source(%arg8 : memref<128xf32, #tpu.memory_space<vmem>>) target(%dma_start3A_146 : memref<10016xf32, #tpu.memory_space<vmem_shared>>) offsets(%dma_start3A_144 : memref<128xi32, #tpu.memory_space<vmem>>) semaphore(%arg11 : memref<!tpu.dma_semaphore, #tpu.memory_space<semaphore_mem>>) {add = true}
      %sub3A = arith.constant 8 : i32
      %sub3A_147 = arith.subi %scan3A_140, %sub3A : i32
      %dma_wait3A_148 = arith.constant 0 : i32
      %dma_wait3A_149 = tpu.memref_slice %arg7[%sub3A_147, %dma_wait3A_148] : memref<157x128xi32, #tpu.memory_space<vmem>> -> memref<1x128xi32, #tpu.memory_space<vmem>>
      %dma_wait3A_150 = tpu.memref_squeeze %dma_wait3A_149 : memref<1x128xi32, #tpu.memory_space<vmem>> -> memref<128xi32, #tpu.memory_space<vmem>>
      %dma_wait3A_151 = arith.constant 0 : i32
      %dma_wait3A_152 = tpu.memref_slice %arg9[%dma_wait3A_151] : memref<10016xf32, #tpu.memory_space<vmem_shared>> -> memref<10016xf32, #tpu.memory_space<vmem_shared>>
      tpu.wait_indirect_dma semaphore(%arg11 : memref<!tpu.dma_semaphore, #tpu.memory_space<semaphore_mem>>) src(%arg8 : memref<128xf32, #tpu.memory_space<vmem>>) dst(%dma_wait3A_152 : memref<10016xf32, #tpu.memory_space<vmem_shared>>)
      %scan3A_153 = arith.constant 0 : i32
      scf.yield %scan3A_153 : i32
    }
    %scan3A_75 = arith.constant 149 : i32
    %scan3A_76 = arith.constant 0 : i32
    %scan3A_77 = arith.constant 149 : i32
    %scan3A_78 = arith.constant 8 : i32
    %scan3A_79 = arith.addi %scan3A_77, %scan3A_78 : i32
    %scan3A_80 = arith.constant 1 : i32
    %scan3A_81 = scf.for %scan3A_140 = %scan3A_77 to %scan3A_79 step %scan3A_80 iter_args(%scan3A_141 = %scan3A_76) -> (i32)  : i32 {
      %dma_wait3A_142 = arith.constant 0 : i32
      %dma_wait3A_143 = tpu.memref_slice %arg7[%scan3A_140, %dma_wait3A_142] : memref<157x128xi32, #tpu.memory_space<vmem>> -> memref<1x128xi32, #tpu.memory_space<vmem>>
      %dma_wait3A_144 = tpu.memref_squeeze %dma_wait3A_143 : memref<1x128xi32, #tpu.memory_space<vmem>> -> memref<128xi32, #tpu.memory_space<vmem>>
      %dma_wait3A_145 = arith.constant 0 : i32
      %dma_wait3A_146 = tpu.memref_slice %arg9[%dma_wait3A_145] : memref<10016xf32, #tpu.memory_space<vmem_shared>> -> memref<10016xf32, #tpu.memory_space<vmem_shared>>
      tpu.wait_indirect_dma semaphore(%arg11 : memref<!tpu.dma_semaphore, #tpu.memory_space<semaphore_mem>>) src(%arg8 : memref<128xf32, #tpu.memory_space<vmem>>) dst(%dma_wait3A_146 : memref<10016xf32, #tpu.memory_space<vmem_shared>>)
      %scan3A_147 = arith.constant 0 : i32
      scf.yield %scan3A_147 : i32
    }
    %scan3A_82 = arith.constant 8 : i32
    %barrier3A_83 = arith.constant 0 : index
    tpu.barrier barrier_id(%barrier3A_83)
    %eq3A_84 = arith.constant 0 : i32
    %eq3A_85 = arith.cmpi eq, %arg1, %eq3A_84 : i32
    %convert_element_type3A_86 = arith.extui %eq3A_85 : i1 to i32
    %cond3A_87 = arith.constant 0 : i32
    %cond3A_88 = arith.cmpi ne, %convert_element_type3A_86, %cond3A_87 : i32
    scf.if %cond3A_88 {
      "tpu.region"() ({
        %run_scoped3A = tpu.sem_alloc : memref<!tpu.dma_semaphore, #tpu.memory_space<semaphore_mem>>
        %dma_start3A_140 = arith.constant 0 : i32
        %dma_start3A_141 = tpu.memref_slice %arg5[%arg0, %dma_start3A_140] : memref<2x10016xf32, #tpu.memory_space<hbm>> -> memref<1x10016xf32, #tpu.memory_space<hbm>>
        %dma_start3A_142 = tpu.memref_squeeze %dma_start3A_141 : memref<1x10016xf32, #tpu.memory_space<hbm>> -> memref<10016xf32, #tpu.memory_space<hbm>>
        tpu.enqueue_dma source(%arg9 : memref<10016xf32, #tpu.memory_space<vmem_shared>>) target(%dma_start3A_142 : memref<10016xf32, #tpu.memory_space<hbm>>) target_semaphore(%run_scoped3A : memref<!tpu.dma_semaphore, #tpu.memory_space<semaphore_mem>>)
        %dma_wait3A_143 = arith.constant 0 : i32
        %dma_wait3A_144 = tpu.memref_slice %arg5[%arg0, %dma_wait3A_143] : memref<2x10016xf32, #tpu.memory_space<hbm>> -> memref<1x10016xf32, #tpu.memory_space<hbm>>
        %dma_wait3A_145 = tpu.memref_squeeze %dma_wait3A_144 : memref<1x10016xf32, #tpu.memory_space<hbm>> -> memref<10016xf32, #tpu.memory_space<hbm>>
        tpu.wait_dma2 semaphore(%run_scoped3A : memref<!tpu.dma_semaphore, #tpu.memory_space<semaphore_mem>>) src(%arg9 : memref<10016xf32, #tpu.memory_space<vmem_shared>>) dst(%dma_wait3A_145 : memref<10016xf32, #tpu.memory_space<hbm>>)
        tpu.yield
      }) : () -> ()
    } else {
    }
    %barrier3A_89 = arith.constant 0 : index
    tpu.barrier barrier_id(%barrier3A_89)
    %eq3A_90 = arith.constant 0 : i32
    %eq3A_91 = arith.cmpi eq, %arg1, %eq3A_90 : i32
    %convert_element_type3A_92 = arith.extui %eq3A_91 : i1 to i32
    %cond3A_93 = arith.constant 0 : i32
    %cond3A_94 = arith.cmpi ne, %convert_element_type3A_92, %cond3A_93 : i32
    scf.if %cond3A_94 {
      "tpu.region"() ({
        %run_scoped3A = tpu.sem_alloc : memref<!tpu.dma_semaphore, #tpu.memory_space<semaphore_mem>>
        tpu.enqueue_dma source(%arg4 : memref<10016xf32, #tpu.memory_space<hbm>>) target(%arg9 : memref<10016xf32, #tpu.memory_space<vmem_shared>>) target_semaphore(%run_scoped3A : memref<!tpu.dma_semaphore, #tpu.memory_space<semaphore_mem>>)
        tpu.wait_dma2 semaphore(%run_scoped3A : memref<!tpu.dma_semaphore, #tpu.memory_space<semaphore_mem>>) src(%arg4 : memref<10016xf32, #tpu.memory_space<hbm>>) dst(%arg9 : memref<10016xf32, #tpu.memory_space<vmem_shared>>)
        tpu.yield
      }) : () -> ()
    } else {
    }
    %dma_start3A_95 = arith.constant 0 : i32
    %dma_start3A_96 = arith.constant 0 : i32
    %dma_start3A_97 = tpu.memref_slice %arg3[%add3A, %dma_start3A_95, %dma_start3A_96] : memref<32x157x128xi32, #tpu.memory_space<hbm>> -> memref<1x157x128xi32, #tpu.memory_space<hbm>>
    %dma_start3A_98 = tpu.memref_squeeze %dma_start3A_97 : memref<1x157x128xi32, #tpu.memory_space<hbm>> -> memref<157x128xi32, #tpu.memory_space<hbm>>
    %dma_start3A_99 = arith.constant 0 : i32
    %dma_start3A_100 = arith.constant 0 : i32
    %dma_start3A_101 = tpu.memref_slice %arg3[%add3A, %dma_start3A_99, %dma_start3A_100] : memref<32x157x128xi32, #tpu.memory_space<hbm>> -> memref<1x157x128xi32, #tpu.memory_space<hbm>>
    %dma_start3A_102 = tpu.memref_squeeze %dma_start3A_101 : memref<1x157x128xi32, #tpu.memory_space<hbm>> -> memref<157x128xi32, #tpu.memory_space<hbm>>
    tpu.enqueue_dma source(%dma_start3A_102 : memref<157x128xi32, #tpu.memory_space<hbm>>) target(%arg7 : memref<157x128xi32, #tpu.memory_space<vmem>>) target_semaphore(%arg10 : memref<!tpu.dma_semaphore, #tpu.memory_space<semaphore_mem>>)
    %dma_wait3A_103 = arith.constant 0 : i32
    %dma_wait3A_104 = arith.constant 0 : i32
    %dma_wait3A_105 = tpu.memref_slice %arg3[%add3A, %dma_wait3A_103, %dma_wait3A_104] : memref<32x157x128xi32, #tpu.memory_space<hbm>> -> memref<1x157x128xi32, #tpu.memory_space<hbm>>
    %dma_wait3A_106 = tpu.memref_squeeze %dma_wait3A_105 : memref<1x157x128xi32, #tpu.memory_space<hbm>> -> memref<157x128xi32, #tpu.memory_space<hbm>>
    %dma_wait3A_107 = arith.constant 0 : i32
    %dma_wait3A_108 = arith.constant 0 : i32
    %dma_wait3A_109 = tpu.memref_slice %arg3[%add3A, %dma_wait3A_107, %dma_wait3A_108] : memref<32x157x128xi32, #tpu.memory_space<hbm>> -> memref<1x157x128xi32, #tpu.memory_space<hbm>>
    %dma_wait3A_110 = tpu.memref_squeeze %dma_wait3A_109 : memref<1x157x128xi32, #tpu.memory_space<hbm>> -> memref<157x128xi32, #tpu.memory_space<hbm>>
    tpu.wait_dma2 semaphore(%arg10 : memref<!tpu.dma_semaphore, #tpu.memory_space<semaphore_mem>>) src(%dma_wait3A_110 : memref<157x128xi32, #tpu.memory_space<hbm>>) dst(%arg7 : memref<157x128xi32, #tpu.memory_space<vmem>>)
    %barrier3A_111 = arith.constant 0 : index
    tpu.barrier barrier_id(%barrier3A_111)
    %scan3A_112 = arith.constant 0 : i32
    %scan3A_113 = arith.constant 0 : i32
    %scan3A_114 = arith.constant 8 : i32
    %scan3A_115 = arith.addi %scan3A_113, %scan3A_114 : i32
    %scan3A_116 = arith.constant 1 : i32
    %scan3A_117 = scf.for %scan3A_140 = %scan3A_113 to %scan3A_115 step %scan3A_116 iter_args(%scan3A_141 = %scan3A_112) -> (i32)  : i32 {
      %dma_start3A_142 = arith.constant 0 : i32
      %dma_start3A_143 = tpu.memref_slice %arg7[%scan3A_140, %dma_start3A_142] : memref<157x128xi32, #tpu.memory_space<vmem>> -> memref<1x128xi32, #tpu.memory_space<vmem>>
      %dma_start3A_144 = tpu.memref_squeeze %dma_start3A_143 : memref<1x128xi32, #tpu.memory_space<vmem>> -> memref<128xi32, #tpu.memory_space<vmem>>
      %dma_start3A_145 = arith.constant 0 : i32
      %dma_start3A_146 = tpu.memref_slice %arg9[%dma_start3A_145] : memref<10016xf32, #tpu.memory_space<vmem_shared>> -> memref<10016xf32, #tpu.memory_space<vmem_shared>>
      tpu.enqueue_indirect_dma source(%arg8 : memref<128xf32, #tpu.memory_space<vmem>>) target(%dma_start3A_146 : memref<10016xf32, #tpu.memory_space<vmem_shared>>) offsets(%dma_start3A_144 : memref<128xi32, #tpu.memory_space<vmem>>) semaphore(%arg11 : memref<!tpu.dma_semaphore, #tpu.memory_space<semaphore_mem>>) {add = true}
      %scan3A_147 = arith.constant 0 : i32
      scf.yield %scan3A_147 : i32
    }
    %scan3A_118 = arith.constant 8 : i32
    %scan3A_119 = arith.constant 0 : i32
    %scan3A_120 = arith.constant 8 : i32
    %scan3A_121 = arith.constant 149 : i32
    %scan3A_122 = arith.addi %scan3A_120, %scan3A_121 : i32
    %scan3A_123 = arith.constant 1 : i32
    %scan3A_124 = scf.for %scan3A_140 = %scan3A_120 to %scan3A_122 step %scan3A_123 iter_args(%scan3A_141 = %scan3A_119) -> (i32)  : i32 {
      %dma_start3A_142 = arith.constant 0 : i32
      %dma_start3A_143 = tpu.memref_slice %arg7[%scan3A_140, %dma_start3A_142] : memref<157x128xi32, #tpu.memory_space<vmem>> -> memref<1x128xi32, #tpu.memory_space<vmem>>
      %dma_start3A_144 = tpu.memref_squeeze %dma_start3A_143 : memref<1x128xi32, #tpu.memory_space<vmem>> -> memref<128xi32, #tpu.memory_space<vmem>>
      %dma_start3A_145 = arith.constant 0 : i32
      %dma_start3A_146 = tpu.memref_slice %arg9[%dma_start3A_145] : memref<10016xf32, #tpu.memory_space<vmem_shared>> -> memref<10016xf32, #tpu.memory_space<vmem_shared>>
      tpu.enqueue_indirect_dma source(%arg8 : memref<128xf32, #tpu.memory_space<vmem>>) target(%dma_start3A_146 : memref<10016xf32, #tpu.memory_space<vmem_shared>>) offsets(%dma_start3A_144 : memref<128xi32, #tpu.memory_space<vmem>>) semaphore(%arg11 : memref<!tpu.dma_semaphore, #tpu.memory_space<semaphore_mem>>) {add = true}
      %sub3A = arith.constant 8 : i32
      %sub3A_147 = arith.subi %scan3A_140, %sub3A : i32
      %dma_wait3A_148 = arith.constant 0 : i32
      %dma_wait3A_149 = tpu.memref_slice %arg7[%sub3A_147, %dma_wait3A_148] : memref<157x128xi32, #tpu.memory_space<vmem>> -> memref<1x128xi32, #tpu.memory_space<vmem>>
      %dma_wait3A_150 = tpu.memref_squeeze %dma_wait3A_149 : memref<1x128xi32, #tpu.memory_space<vmem>> -> memref<128xi32, #tpu.memory_space<vmem>>
      %dma_wait3A_151 = arith.constant 0 : i32
      %dma_wait3A_152 = tpu.memref_slice %arg9[%dma_wait3A_151] : memref<10016xf32, #tpu.memory_space<vmem_shared>> -> memref<10016xf32, #tpu.memory_space<vmem_shared>>
      tpu.wait_indirect_dma semaphore(%arg11 : memref<!tpu.dma_semaphore, #tpu.memory_space<semaphore_mem>>) src(%arg8 : memref<128xf32, #tpu.memory_space<vmem>>) dst(%dma_wait3A_152 : memref<10016xf32, #tpu.memory_space<vmem_shared>>)
      %scan3A_153 = arith.constant 0 : i32
      scf.yield %scan3A_153 : i32
    }
    %scan3A_125 = arith.constant 149 : i32
    %scan3A_126 = arith.constant 0 : i32
    %scan3A_127 = arith.constant 149 : i32
    %scan3A_128 = arith.constant 8 : i32
    %scan3A_129 = arith.addi %scan3A_127, %scan3A_128 : i32
    %scan3A_130 = arith.constant 1 : i32
    %scan3A_131 = scf.for %scan3A_140 = %scan3A_127 to %scan3A_129 step %scan3A_130 iter_args(%scan3A_141 = %scan3A_126) -> (i32)  : i32 {
      %dma_wait3A_142 = arith.constant 0 : i32
      %dma_wait3A_143 = tpu.memref_slice %arg7[%scan3A_140, %dma_wait3A_142] : memref<157x128xi32, #tpu.memory_space<vmem>> -> memref<1x128xi32, #tpu.memory_space<vmem>>
      %dma_wait3A_144 = tpu.memref_squeeze %dma_wait3A_143 : memref<1x128xi32, #tpu.memory_space<vmem>> -> memref<128xi32, #tpu.memory_space<vmem>>
      %dma_wait3A_145 = arith.constant 0 : i32
      %dma_wait3A_146 = tpu.memref_slice %arg9[%dma_wait3A_145] : memref<10016xf32, #tpu.memory_space<vmem_shared>> -> memref<10016xf32, #tpu.memory_space<vmem_shared>>
      tpu.wait_indirect_dma semaphore(%arg11 : memref<!tpu.dma_semaphore, #tpu.memory_space<semaphore_mem>>) src(%arg8 : memref<128xf32, #tpu.memory_space<vmem>>) dst(%dma_wait3A_146 : memref<10016xf32, #tpu.memory_space<vmem_shared>>)
      %scan3A_147 = arith.constant 0 : i32
      scf.yield %scan3A_147 : i32
    }
    %scan3A_132 = arith.constant 8 : i32
    %barrier3A_133 = arith.constant 0 : index
    tpu.barrier barrier_id(%barrier3A_133)
    %eq3A_134 = arith.constant 0 : i32
    %eq3A_135 = arith.cmpi eq, %arg1, %eq3A_134 : i32
    %convert_element_type3A_136 = arith.extui %eq3A_135 : i1 to i32
    %cond3A_137 = arith.constant 0 : i32
    %cond3A_138 = arith.cmpi ne, %convert_element_type3A_136, %cond3A_137 : i32
    scf.if %cond3A_138 {
      "tpu.region"() ({
        %run_scoped3A = tpu.sem_alloc : memref<!tpu.dma_semaphore, #tpu.memory_space<semaphore_mem>>
        %dma_start3A_140 = arith.constant 0 : i32
        %dma_start3A_141 = tpu.memref_slice %arg6[%arg0, %dma_start3A_140] : memref<2x10016xf32, #tpu.memory_space<hbm>> -> memref<1x10016xf32, #tpu.memory_space<hbm>>
        %dma_start3A_142 = tpu.memref_squeeze %dma_start3A_141 : memref<1x10016xf32, #tpu.memory_space<hbm>> -> memref<10016xf32, #tpu.memory_space<hbm>>
        tpu.enqueue_dma source(%arg9 : memref<10016xf32, #tpu.memory_space<vmem_shared>>) target(%dma_start3A_142 : memref<10016xf32, #tpu.memory_space<hbm>>) target_semaphore(%run_scoped3A : memref<!tpu.dma_semaphore, #tpu.memory_space<semaphore_mem>>)
        %dma_wait3A_143 = arith.constant 0 : i32
        %dma_wait3A_144 = tpu.memref_slice %arg6[%arg0, %dma_wait3A_143] : memref<2x10016xf32, #tpu.memory_space<hbm>> -> memref<1x10016xf32, #tpu.memory_space<hbm>>
        %dma_wait3A_145 = tpu.memref_squeeze %dma_wait3A_144 : memref<1x10016xf32, #tpu.memory_space<hbm>> -> memref<10016xf32, #tpu.memory_space<hbm>>
        tpu.wait_dma2 semaphore(%run_scoped3A : memref<!tpu.dma_semaphore, #tpu.memory_space<semaphore_mem>>) src(%arg9 : memref<10016xf32, #tpu.memory_space<vmem_shared>>) dst(%dma_wait3A_145 : memref<10016xf32, #tpu.memory_space<hbm>>)
        tpu.yield
      }) : () -> ()
    } else {
    }
    %barrier3A_139 = arith.constant 0 : index
    tpu.barrier barrier_id(%barrier3A_139)
    return
  }
}

</mosaic_0001>

<sc_bundles>
// kernel: _counts.3.cloned.1.call-start
scs
__scs_entry_jumppad:
0x0: {  	(pc) =	sbr.rel $0x88, $3  }
0x1: {  	(tag) =	ssettag $0x0;
	lr =	simm.s32 $0x1  }
0x2: {  	[smem:$0x3F9E] =	sst lr;
	_ =	strace $0xD0000000  }
0x3: {  	_ = 	snop  }
0x4: {  	_ = 	snop  }
0x5: {  	_ = 	snop  }
0x6: {  	_ = 	snop  }
0x7: {  	_ = 	snop  }
__scs_overlays_trampoline_lowered:
0x8: {  	[smem:$0x3FAD] =	sst s0  }
0x9: {  	[smem:$0x3FAE] =	sst s1  }
0xa: {  	[smem:$0x3FAF] =	sst s2  }
0xb: {  	[smem:$0x3FB0] =	sst s3  }
0xc: {  	[smem:$0x3FB1] =	sst s4  }
0xd: {  	[smem:$0x3FB2] =	sst s5  }
0xe: {  	[smem:$0x3FB3] =	sst s6  }
0xf: {  	[smem:$0x3FB4] =	sst s7  }
0x10: {  	[smem:$0x3FB5] =	sst s8  }
0x11: {  	[smem:$0x3FB6] =	sst s9;
	s0 =	simm.s32 @!p0 $0x0  }
0x12: {  	s1 =	sld [smem:$0x3F9C];
	s0 =	simm.s32 @p0 $0x1  }
0x13: {  	[smem:$0x3FB7] =	sst s0;
	s0 =	simm.s32 @!p1 $0x0  }
0x14: {  	s2 =	sld [smem:$0x3F9B];
	s0 =	simm.s32 @p1 $0x1  }
0x15: {  	[smem:$0x3FB8] =	sst s0;
	s0 =	simm.s32 @!p2 $0x0  }
0x16: {  	s3 =	sld [smem:$0x3FDB];
	s0 =	simm.s32 @p2 $0x1  }
0x17: {  	s4 =	simm.s32 $0x1BF5;
	[smem:$0x3FBA] =	sst s0  }
0x18: {  	s0 =	sld [smem:$0x3F9D];
	_ =	swait.ge [sflag:s4], $0x0  }
0x19: {  	s7 =	sld [smem:$0x3F9E]  }
0x1a: {  	s8 =	sadd.s32 $0xFFFFE003, lr  }
0x1b: {  	s9 =	sadd.s32 $0xFFFFFEF7, lr;
	s5 =	simm.s32 $0xFFFFFFFF;
	p2 =	slt.u32 s8, $0xFFFFF086  }
0x1c: {  	p1 =	slt.u32 s9, $0xF7A;
	s5 =	simm.s32 @!p2 $0x0  }
0x1d: {  	s5 =	simm.s32 @p1 $0x1;
	p0 =	seq.s32 s7, s2  }
0x1e: {  	s7 =	smul.u32 @!p0 $0xF7A, s2;
	p2 =	seq.s32 @!p0 s5, $0x0  }
0x1f: {  	s9 =	smul.u32 $0xF7A, s1;
	s8 =	simm.s32 @!p0 $0x1BF5;
	p2 =	por !p2, p0  }
0x20: {  	[sflag:s8] =	ssyncset.s32 @!p0 $0xFFFFF086;
	s6 =	sadd.s32 @!p0 s3, s7;
	s7 =	simm.s32 @!p0 $0x108  }
0x21: {  	s3 =	sadd.s32 s3, s9;
	s6 =	sadd.s32 @!p0 $0x88, s6;
	s7 =	simm.s32 @p2 $0x1082  }
0x22: {  	[simem:s7], [sflag:s8] =	dma.local @!p0 [hbm:s6], $0xF7A  }
0x23: {  	s9 =	sor.u32 $0xD0000000, s2;
	s6 =	simm.s32 $0x108;
	_ =	swait.ge @!p0 [sflag:s8], $0x0  }
0x24: {  	s3 =	sadd.s32 $0x88, s3;
	s6 =	simm.s32 @!p1 $0x1082;
	[sflag:s4] =	ssyncset.s32 $0xFFFFF086  }
0x25: {  	[simem:s6], [sflag:s4] =	dma.local [hbm:s3], $0xF7A  }
0x26: {  	[smem:$0x3F9E] =	sst s1;
	(tag) =	ssettag s2;
	_ =	strace s9  }
0x27: {  	s1 =	sld [smem:$0x3FAE]  }
0x28: {  	s2 =	sld [smem:$0x3FAF]  }
0x29: {  	s4 =	sld [smem:$0x3FB1]  }
0x2a: {  	p0 =	seq.s32 s5, $0x0;
	s5 =	sld [smem:$0x3FB2]  }
0x2b: {  	s6 =	sld [smem:$0x3FB3]  }
0x2c: {  	s7 =	sld [smem:$0x3FB4]  }
0x2d: {  	s3 =	simm.s32 $0x108;
	s8 =	sld [smem:$0x3FB5]  }
0x2e: {  	s3 =	simm.s32 @!p0 $0x1082;
	s9 =	sld [smem:$0x3FB6]  }
0x2f: {  	lr =	sadd.s32 s0, s3;
	s0 =	sld [smem:$0x3FAD]  }
0x30: {  	s3 =	sld [smem:$0x3FB0]  }
0x31: {  	[smem:$0x3FB9] =	sst s10  }
0x32: {  	s10 =	sld [smem:$0x3FB7];
	_ =	sdelay $0x3  }
0x33: {  	p0 =	seq.s32 s10, $0x1;
	s10 =	sld [smem:$0x3FB9];
	_ =	sdelay $0x3  }
0x34: {  	[smem:$0x3FB9] =	sst s10  }
0x35: {  	s10 =	sld [smem:$0x3FB8];
	_ =	sdelay $0x3  }
0x36: {  	p1 =	seq.s32 s10, $0x1;
	s10 =	sld [smem:$0x3FB9];
	_ =	sdelay $0x3  }
0x37: {  	[smem:$0x3FB9] =	sst s10  }
0x38: {  	s10 =	sld [smem:$0x3FBA]  }
0x39: {  	_ = 	snop;
	(pc) =	sbr.ind lr, $3  }
0x3a: {  	_ = 	snop  }
0x3b: {  	_ = 	snop  }
0x3c: {  	p2 =	seq.s32 s10, $0x1;
	s10 =	sld [smem:$0x3FB9]  }
0x3d: {  	_ =	shalt  }
0x3e: {  	_ =	shalt  }
0x3f: {  	_ =	shalt  }
0x40: {  	_ =	shalt  }
0x41: {  	_ =	shalt  }
0x42: {  	_ =	shalt  }
0x43: {  	_ =	shalt  }
0x44: {  	_ =	shalt  }
0x45: {  	_ =	shalt  }
0x46: {  	_ =	shalt  }
0x47: {  	_ =	shalt  }
0x48: {  	_ =	shalt  }
0x49: {  	_ =	shalt  }
0x4a: {  	_ =	shalt  }
0x4b: {  	_ =	shalt  }
0x4c: {  	_ =	shalt  }
0x4d: {  	_ =	shalt  }
0x4e: {  	_ =	shalt  }
0x4f: {  	_ =	shalt  }
0x50: {  	_ =	shalt  }
0x51: {  	_ =	shalt  }
0x52: {  	_ =	shalt  }
0x53: {  	_ =	shalt  }
0x54: {  	_ =	shalt  }
0x55: {  	_ =	shalt  }
0x56: {  	_ =	shalt  }
0x57: {  	_ =	shalt  }
0x58: {  	_ =	shalt  }
0x59: {  	_ =	shalt  }
0x5a: {  	_ =	shalt  }
0x5b: {  	_ =	shalt  }
0x5c: {  	_ =	shalt  }
0x5d: {  	_ =	shalt  }
0x5e: {  	_ =	shalt  }
0x5f: {  	_ =	shalt  }
0x60: {  	_ =	shalt  }
0x61: {  	_ =	shalt  }
0x62: {  	_ =	shalt  }
0x63: {  	_ =	shalt  }
0x64: {  	_ =	shalt  }
0x65: {  	_ =	shalt  }
0x66: {  	_ =	shalt  }
0x67: {  	_ =	shalt  }
0x68: {  	_ =	shalt  }
0x69: {  	_ =	shalt  }
0x6a: {  	_ =	shalt  }
0x6b: {  	_ =	shalt  }
0x6c: {  	_ =	shalt  }
0x6d: {  	_ =	shalt  }
0x6e: {  	_ =	shalt  }
0x6f: {  	_ =	shalt  }
0x70: {  	_ =	shalt  }
0x71: {  	_ =	shalt  }
0x72: {  	_ =	shalt  }
0x73: {  	_ =	shalt  }
0x74: {  	_ =	shalt  }
0x75: {  	_ =	shalt  }
0x76: {  	_ =	shalt  }
0x77: {  	_ =	shalt  }
0x78: {  	_ =	shalt  }
0x79: {  	_ =	shalt  }
0x7a: {  	_ =	shalt  }
0x7b: {  	_ =	shalt  }
0x7c: {  	_ =	shalt  }
0x7d: {  	_ =	shalt  }
0x7e: {  	_ =	shalt  }
0x7f: {  	_ =	shalt  }
0x80: {  	_ =	shalt  }
0x81: {  	_ =	shalt  }
0x82: {  	_ =	shalt  }
0x83: {  	_ =	shalt  }
0x84: {  	_ =	shalt  }
0x85: {  	_ =	shalt  }
0x86: {  	_ =	shalt  }
0x87: {  	_ =	shalt  }
.Lfunc_end0:
.L_simem_size_0:
called_computation_lowered:
.L_overlay_start_0:
0x88: {  	s2 =	sld [smem:$0x3FD9]  }
0x89: {  	s3 =	sld [smem:$0x3FFE];
	_ =	sdelay $0x1  }
0x8a: {  	s1 =	srdreg.scid  }
0x8b: {  	s0 =	sand.u32 $0x1, s1  }
0x8c: {  	s14 =	sshll.u32 s0, $0xA;
	s2 =	sadd.s32 s3, s2  }
0x8d: {  	s2 =	sadd.s32 s2, s14  }
0x8e: {  	[smem:$0x3FC5] =	sst s2  }
0x8f: {  	_ = 	snop  }
0x90: {  	s2 =	sld [smem:$0x3FD0];
	_ =	sdelay $0x2  }
0x91: {  	s4 =	simm.s32 $0xA;
	s5 =	simm.s32 $0x10;
	s15 =	sld [smem:$0x3FC7]  }
0x92: {  	[smem:s5], [sflag:s4] =	dma.local [hbm:s2], $0x1  }
0x93: {  	_ =	swait.eq [sflag:s4], $0x1  }
0x94: {  	[sflag:s4] =	ssyncset.done $0x0  }
0x95: {  	s16 =	sld [smem:$0x10];
	[sflag:s4] =	ssyncadd.s32 $0xFFFFFFFF  }
0x96: {  	s17 =	sld [smem:$0x11];
	(tm) =	ssettm $0x1  }
0x97: {  	s18 =	sld [smem:$0x3FFB];
	_ =	sdelay $0x3  }
0x98: {  	_ =	strace s18  }
0x99: {  	s5 =	sld [smem:$0x3FFC];
	_ =	sdelay $0x3  }
0x9a: {  	_ =	strace s5  }
0x9b: {  	s5 =	sld [smem:$0x3FFD];
	_ =	sdelay $0x3  }
0x9c: {  	_ =	strace s5  }
0x9d: {  	_ =	strace $0x8FFFFFFF  }
0x9e: {  	s19 =	sld [smem:$0x3FDB];
	_ =	sdelay $0x1  }
0x9f: {  	s6 =	simm.s32 $_scs_section_size  }
0xa0: {  	s7 =	simm.s32 $_size__tile_overlayer_lowered;
	s8 =	simm.s32 $_tile_overlayer_lowered  }
0xa1: {  	s22 =	simm.s32 $0x1BFF;
	s21 =	sshll.u32 s8, $0x1;
	s5 =	sadd.s32 s6, s19  }
0xa2: {  	s9 =	simm.s32 $0x0;
	s20 =	sshll.u32 s7, $0x1;
	s7 =	sadd.s32 s21, s5  }
0xa3: {  	[timem:s9], [sflag:s22] =	dma.local [hbm:s7], s20  }
0xa4: {  	_ =	swait.ge [sflag:s22], s20  }
0xa5: {  	s6 =	ssub.s32 $0x0, s20;
	[sflag:s22] =	ssyncset.done $0x0  }
0xa6: {  	[sflag:s22] =	ssyncadd.s32 s6;
	_ =	sdelay $0x1  }
0xa7: {  	s23 =	simm.s32 $0x1B8B  }
0xa8: {  	_ =	swait.ge [sflag:s23], $0x1  }
0xa9: {  	[sflag:s23] =	ssyncset.done $0x0  }
0xaa: {  	s25 =	simm.s32 $0x1B8E;
	s24 =	sld [smem:$0x3FFE];
	[sflag:s23] =	ssyncadd.s32 $0xFFFFFFFF  }
0xab: {  	s26 =	simm.s32 $execute0_lowered;
	[smem:$0x3FD2] =	sst s25  }
0xac: {  	s7 =	sshll.u32 s26, $0x1;
	_ =	strace $0x80000046;
	[dreg:$0x1] =	wrdreg $0xFFFFFFFF  }
0xad: {  	s28 =	simm.s32 $_size_execute0_lowered;
	s5 =	sadd.s32 s5, s7;
	[dreg:$0x0] =	wrdreg $0x0  }
0xae: {  	s7 =	sshll.u32 s28, $0x1;
	[dreg:$0x2] =	wrdreg s5  }
0xaf: {  	[dreg:$0x3] =	wrdreg s7  }
0xb0: {  	[dreg:$0x4] =	wrdreg $0xC0  }
0xb1: {  	_ =	task [dreg:s9], $0x5FFFF  }
0xb2: {  	[dreg:$0x1] =	wrdreg $0xFFFFFFFF  }
0xb3: {  	[dreg:$0x0] =	wrdreg $0x60  }
0xb4: {  	[dreg:$0x2] =	wrdreg s24  }
0xb5: {  	[dreg:$0x3] =	wrdreg s15  }
0xb6: {  	[dreg:$0x4] =	wrdreg s16  }
0xb7: {  	[dreg:$0x5] =	wrdreg s17  }
0xb8: {  	[dreg:$0x6] =	wrdreg $0x50800  }
0xb9: {  	[dreg:$0x7] =	wrdreg $0x9  }
0xba: {  	_ =	task.clear_ibuf [dreg:s9], $0x8FFFF;
	_ =	strace $0x90000046  }
0xbb: {  	s29 =	simm.s32 $0x9;
	_ =	strace $0x80000048  }
0xbc: {  	_ =	swait.ge [sflag:s29], $0x1  }
0xbd: {  	[sflag:s29] =	ssyncadd.s32 $0xFFFFFFFF  }
0xbe: {  	_ =	strace $0x90000048  }
0xbf: {  	_ =	sfence  }
0xc0: {  	s30 =	sld [smem:$0x0];
	_ =	sdelay $0x2  }
0xc1: {  	s31 =	sshll.u32 s1, $0xD;
	s1 =	sshrl.u32 s1, $0x2  }
0xc2: {  	s3 =	sand.u32 $0x4000, s31;
	s1 =	sadd.s32 s1, s30  }
0xc3: {  	s0 =	sor.u32 s3, s0;
	s1 =	sshll.u32 s1, $0x11  }
0xc4: {  	s0 =	sor.u32 s1, s0  }
0xc5: {  	s0 =	sadd.s32 $0x8F2B, s0  }
0xc6: {  	[sflag:s0] =	ssyncadd.remote.s32 $0x1  }
0xc7: {  	_ =	sfence.sel $0xFFFF  }
0xc8: {  	[dreg:$0x0] =	wrdreg $0xFFFFFFFF;
	(pc) =	sbr.abs _section_cstart, $3  }
0xc9: {  	[dreg:$0x1] =	wrdreg $0xFFFFFFFF  }
0xca: {  	_ =	task.clear_ibuf [dreg:s9], $0x2FFFF;
	_ =	strace $0x9FFFFFFF  }
0xcb: {  	(tm) =	ssettm $0x7FFFFFFF  }
tec
execute0_lowered:
.L_overlay_start_1:
0x0: {  	(tag) =	ssettag $0x1  }
0x1: {  	s4 =	rddreg [dreg:$0x0]  }
0x2: {  	s0 =	rddreg [dreg:$0x1]  }
0x3: {  	s5 =	rddreg [dreg:$0x2]  }
0x4: {  	s7 =	rddreg [dreg:$0x3];
	s1 =	srdreg.scid  }
0x5: {  	s9 =	stileid.u32;
	s2 =	rddreg [dreg:$0x4];
	s3 =	simm.s32 $0x0  }
0x6: {  	s12 =	simm.s32 $0x5000;
	s13 =	simm.s32 $0x100;
	s14 =	simm.s32 $0x180  }
0x7: {  	s15 =	simm.s32 $0x200;
	s16 =	simm.s32 $0x280;
	s17 =	simm.s32 $0x300  }
0x8: {  	s18 =	simm.s32 $0x380;
	s19 =	simm.s32 $0x2;
	s20 =	simm.s32 $0x0  }
0x9: {  	s6 =	sand.u32 $0x1, s1;
	s8 =	sshll.u32 s9, $0x1;
	s1 =	rddreg [dreg:$0x5]  }
0xa: {  	[smem:$0x7FF] =	sst s3;
	p0 =	sne.s32 s9, $0x0;
	s8 =	sor.u32 s6, s8  }
0xb: {  	s10 =	ssub.s32 $0x2, s6;
	_ =	strace $0x80000047;
	s8 =	smul.u32 $0xA00, s8  }
0xc: {  	s31 =	sshll.u32 s6, $0x4;
	s9 =	sshrl.u32 @!p0 s2, $0x3;
	s11 =	sshrl.u32 s10, $0x1  }
0xd: {  	s5 =	sadd.s32 s5, s31;
	s7 =	sadd.s32 s7, s31;
	s8 =	sadd.s32 s8, s4  }
0xe: {  	s10 =	ssub.s32 s10, s11;
	s11 =	simm.s32 $0x80;
	s4 =	sadd.s32 $0x800, s8  }
0xf: {  	v0 =	vimm.f32 $1.000000000e+00;
	s6 =	sadd.s32 $0x14800, s8;
	s8 =	smax.u32 s10, $0x1;
	s10 =	simm.s32 $0x1  }
.LBB2_1:
0x10: {  	[tilespmem:$0x5000] =	vst v0  }
0x11: {  	[tilespmem:$0x5010] =	vst v0  }
0x12: {  	[tilespmem:$0x5020] =	vst v0  }
0x13: {  	[tilespmem:$0x5030] =	vst v0  }
0x14: {  	[tilespmem:$0x5040] =	vst v0  }
0x15: {  	[tilespmem:$0x5050] =	vst v0  }
0x16: {  	[tilespmem:$0x5060] =	vst v0  }
0x17: {  	[tilespmem:$0x5070] =	vst v0;
	s21 =	simm.s32 @!p0 $0x1C03  }
0x18: {  	[spmem:s9], [sflag:s21] =	dma.local @!p0 [hbm:s0], $0x4F0  }
0x19: {  	s21 =	simm.s32 @!p0 $0x3  }
0x1a: {  	_ =	swait.ge @!p0 [sflag:s21], $0x4F0  }
0x1b: {  	[sflag:s21] =	ssyncset.done @!p0 $0x0  }
0x1c: {  	[sflag:s21] =	ssyncadd.s32 @!p0 $0xFFFFFB10  }
0x1d: {  	[tilespmem:s3], [sflag:$0x1] =	stream.linear.gather [hbm4b:s4+s3], $0x4E80, $0x38;
	[tilespmem:$0x52F8] =	vst v63  }
0x1e: {  	_ =	swait.ge [sflag:s10], $0x4E80  }
0x1f: {  	[sflag:s10] =	ssyncset.done $0x0  }
0x20: {  	[sflag:s10] =	ssyncadd.s32 $0xFFFFB180  }
0x21: {  	[bflag:$0x0] =	sbarrier.arrive $0xFFFF  }
0x22: {  	[spmem:s2] =	stream.indirect.scatter.add.f32 [tilespmem:s12], [sflag:$0x2], $0x1, s3, s11, $0xb8;
	[tilespmem:$0x52F8] =	vst v63  }
0x23: {  	_ = 	snop  }
0x24: {  	[spmem:s2] =	stream.indirect.scatter.add.f32 [tilespmem:s12], [sflag:$0x2], $0x1, s11, s11, $0xb8;
	[tilespmem:$0x52F8] =	vst v63  }
0x25: {  	_ = 	snop  }
0x26: {  	[spmem:s2] =	stream.indirect.scatter.add.f32 [tilespmem:s12], [sflag:$0x2], $0x1, s13, s11, $0xb8;
	[tilespmem:$0x52F8] =	vst v63  }
0x27: {  	_ = 	snop  }
0x28: {  	[spmem:s2] =	stream.indirect.scatter.add.f32 [tilespmem:s12], [sflag:$0x2], $0x1, s14, s11, $0xb8;
	[tilespmem:$0x52F8] =	vst v63  }
0x29: {  	_ = 	snop  }
0x2a: {  	[spmem:s2] =	stream.indirect.scatter.add.f32 [tilespmem:s12], [sflag:$0x2], $0x1, s15, s11, $0xb8;
	[tilespmem:$0x52F8] =	vst v63  }
0x2b: {  	_ = 	snop  }
0x2c: {  	[spmem:s2] =	stream.indirect.scatter.add.f32 [tilespmem:s12], [sflag:$0x2], $0x1, s16, s11, $0xb8;
	[tilespmem:$0x52F8] =	vst v63  }
0x2d: {  	_ = 	snop  }
0x2e: {  	[spmem:s2] =	stream.indirect.scatter.add.f32 [tilespmem:s12], [sflag:$0x2], $0x1, s17, s11, $0xb8;
	[tilespmem:$0x52F8] =	vst v63  }
0x2f: {  	_ = 	snop  }
0x30: {  	[spmem:s2] =	stream.indirect.scatter.add.f32 [tilespmem:s12], [sflag:$0x2], $0x1, s18, s11, $0xb8;
	[tilespmem:$0x52F8] =	vst v63  }
0x31: {  	s31 =	simm.s32 $0x400  }
0x32: {  	[spmem:s2] =	stream.indirect.scatter.add.f32 [tilespmem:s12], [sflag:$0x2], $0x1, s31, s11, $0xb8;
	[tilespmem:$0x52F8] =	vst v63  }
0x33: {  	_ =	swait.ge [sflag:s19], $0x80  }
0x34: {  	s21 =	simm.s32 $0x1200;
	[sflag:s19] =	ssyncset.done $0x0  }
.LBB2_2:
0x35: {  	s22 =	sshra.s32 s21, $0x2;
	[sflag:s19] =	ssyncadd.s32 $0xFFFFFF80;
	p1 =	sne.s32 s21, $0x13800  }
0x36: {  	[spmem:s2] =	stream.indirect.scatter.add.f32 [tilespmem:s12], [sflag:$0x2], $0x1, s22, s11, $0xb8;
	[tilespmem:$0x52F8] =	vst v63  }
.Ltmp0:
0x37: {  	_ = 	snop;
	(pc) =	sbr.rel @p1 .LBB2_2-.Ltmp0, $4  }
0x38: {  	_ = 	snop  }
0x39: {  	s21 =	sadd.s32 $0x200, s21  }
0x3a: {  	_ =	swait.ge [sflag:s19], $0x80  }
0x3b: {  	[sflag:s19] =	ssyncset.done $0x0  }
0x3c: {  	[sflag:s19] =	ssyncadd.s32 $0xFFFFFF80  }
0x3d: {  	_ =	swait.ge [sflag:s19], $0x80  }
0x3e: {  	[sflag:s19] =	ssyncset.done $0x0  }
0x3f: {  	[sflag:s19] =	ssyncadd.s32 $0xFFFFFF80  }
0x40: {  	_ =	swait.ge [sflag:s19], $0x80  }
0x41: {  	[sflag:s19] =	ssyncset.done $0x0  }
0x42: {  	[sflag:s19] =	ssyncadd.s32 $0xFFFFFF80  }
0x43: {  	_ =	swait.ge [sflag:s19], $0x80  }
0x44: {  	[sflag:s19] =	ssyncset.done $0x0  }
0x45: {  	[sflag:s19] =	ssyncadd.s32 $0xFFFFFF80  }
0x46: {  	_ =	swait.ge [sflag:s19], $0x80  }
0x47: {  	[sflag:s19] =	ssyncset.done $0x0  }
0x48: {  	[sflag:s19] =	ssyncadd.s32 $0xFFFFFF80  }
0x49: {  	_ =	swait.ge [sflag:s19], $0x80  }
0x4a: {  	[sflag:s19] =	ssyncset.done $0x0  }
0x4b: {  	[sflag:s19] =	ssyncadd.s32 $0xFFFFFF80  }
0x4c: {  	_ =	swait.ge [sflag:s19], $0x80  }
0x4d: {  	[sflag:s19] =	ssyncset.done $0x0  }
0x4e: {  	[sflag:s19] =	ssyncadd.s32 $0xFFFFFF80  }
0x4f: {  	_ =	swait.ge [sflag:s19], $0x80  }
0x50: {  	[sflag:s19] =	ssyncset.done $0x0  }
0x51: {  	[sflag:s19] =	ssyncadd.s32 $0xFFFFFF80  }
0x52: {  	_ =	swait.ge [sflag:s19], $0x80  }
0x53: {  	[sflag:s19] =	ssyncset.done $0x0  }
0x54: {  	[sflag:s19] =	ssyncadd.s32 $0xFFFFFF80  }
0x55: {  	s21 =	simm.s32 @!p0 $0x1;
	s22 =	simm.s32 @!p0 $0x20;
	[bflag:$0x0] =	sbarrier.arrive $0xFFFF  }
0x56: {  	s23 =	simm.s32 @!p0 $0x10;
	s24 =	simm.s32 @!p0 $0x1C03;
	[bflag:$0x0] =	sbarrier.arrive @p0 $0xFFFF  }
0x57: {  	[hbm:s5@s22], [sflag:s24] =	dma.strided @!p0 [spmem:s9@s23], $0x4F0, s21, $0x10   }
0x58: {  	s21 =	simm.s32 @!p0 $0x3  }
0x59: {  	_ =	swait.ge @!p0 [sflag:s21], $0x4F0  }
0x5a: {  	[sflag:s21] =	ssyncset.done @!p0 $0x0  }
0x5b: {  	[sflag:s21] =	ssyncadd.s32 @!p0 $0xFFFFFB10  }
0x5c: {  	[bflag:$0x0] =	sbarrier.arrive @!p0 $0xFFFF  }
0x5d: {  	[spmem:s9], [sflag:s24] =	dma.local @!p0 [hbm:s0], $0x4F0  }
0x5e: {  	_ =	swait.ge @!p0 [sflag:s21], $0x4F0  }
0x5f: {  	[sflag:s21] =	ssyncset.done @!p0 $0x0  }
0x60: {  	[sflag:s21] =	ssyncadd.s32 @!p0 $0xFFFFFB10  }
0x61: {  	[tilespmem:s3], [sflag:$0x1] =	stream.linear.gather [hbm4b:s6+s3], $0x4E80, $0x38;
	[tilespmem:$0x52F8] =	vst v63  }
0x62: {  	_ =	swait.ge [sflag:s10], $0x4E80  }
0x63: {  	[sflag:s10] =	ssyncset.done $0x0  }
0x64: {  	[sflag:s10] =	ssyncadd.s32 $0xFFFFB180  }
0x65: {  	[bflag:$0x0] =	sbarrier.arrive $0xFFFF  }
0x66: {  	[spmem:s2] =	stream.indirect.scatter.add.f32 [tilespmem:s12], [sflag:$0x2], $0x1, s3, s11, $0xb8;
	[tilespmem:$0x52F8] =	vst v63  }
0x67: {  	_ = 	snop  }
0x68: {  	[spmem:s2] =	stream.indirect.scatter.add.f32 [tilespmem:s12], [sflag:$0x2], $0x1, s11, s11, $0xb8;
	[tilespmem:$0x52F8] =	vst v63  }
0x69: {  	_ = 	snop  }
0x6a: {  	[spmem:s2] =	stream.indirect.scatter.add.f32 [tilespmem:s12], [sflag:$0x2], $0x1, s13, s11, $0xb8;
	[tilespmem:$0x52F8] =	vst v63  }
0x6b: {  	_ = 	snop  }
0x6c: {  	[spmem:s2] =	stream.indirect.scatter.add.f32 [tilespmem:s12], [sflag:$0x2], $0x1, s14, s11, $0xb8;
	[tilespmem:$0x52F8] =	vst v63  }
0x6d: {  	_ = 	snop  }
0x6e: {  	[spmem:s2] =	stream.indirect.scatter.add.f32 [tilespmem:s12], [sflag:$0x2], $0x1, s15, s11, $0xb8;
	[tilespmem:$0x52F8] =	vst v63  }
0x6f: {  	_ = 	snop  }
0x70: {  	[spmem:s2] =	stream.indirect.scatter.add.f32 [tilespmem:s12], [sflag:$0x2], $0x1, s16, s11, $0xb8;
	[tilespmem:$0x52F8] =	vst v63  }
0x71: {  	_ = 	snop  }
0x72: {  	[spmem:s2] =	stream.indirect.scatter.add.f32 [tilespmem:s12], [sflag:$0x2], $0x1, s17, s11, $0xb8;
	[tilespmem:$0x52F8] =	vst v63  }
0x73: {  	_ = 	snop  }
0x74: {  	[spmem:s2] =	stream.indirect.scatter.add.f32 [tilespmem:s12], [sflag:$0x2], $0x1, s18, s11, $0xb8;
	[tilespmem:$0x52F8] =	vst v63  }
0x75: {  	s31 =	simm.s32 $0x400  }
0x76: {  	[spmem:s2] =	stream.indirect.scatter.add.f32 [tilespmem:s12], [sflag:$0x2], $0x1, s31, s11, $0xb8;
	[tilespmem:$0x52F8] =	vst v63  }
0x77: {  	_ =	swait.ge [sflag:s19], $0x80  }
0x78: {  	s21 =	simm.s32 $0x1200;
	[sflag:s19] =	ssyncset.done $0x0  }
.LBB2_4:
0x79: {  	s22 =	sshra.s32 s21, $0x2;
	[sflag:s19] =	ssyncadd.s32 $0xFFFFFF80;
	p1 =	sne.s32 s21, $0x13800  }
0x7a: {  	[spmem:s2] =	stream.indirect.scatter.add.f32 [tilespmem:s12], [sflag:$0x2], $0x1, s22, s11, $0xb8;
	[tilespmem:$0x52F8] =	vst v63  }
.Ltmp1:
0x7b: {  	_ = 	snop;
	(pc) =	sbr.rel @p1 .LBB2_4-.Ltmp1, $4  }
0x7c: {  	_ = 	snop  }
0x7d: {  	s21 =	sadd.s32 $0x200, s21  }
0x7e: {  	_ =	swait.ge [sflag:s19], $0x80  }
0x7f: {  	[sflag:s19] =	ssyncset.done $0x0  }
0x80: {  	[sflag:s19] =	ssyncadd.s32 $0xFFFFFF80  }
0x81: {  	_ =	swait.ge [sflag:s19], $0x80  }
0x82: {  	[sflag:s19] =	ssyncset.done $0x0  }
0x83: {  	[sflag:s19] =	ssyncadd.s32 $0xFFFFFF80  }
0x84: {  	_ =	swait.ge [sflag:s19], $0x80  }
0x85: {  	[sflag:s19] =	ssyncset.done $0x0  }
0x86: {  	[sflag:s19] =	ssyncadd.s32 $0xFFFFFF80  }
0x87: {  	_ =	swait.ge [sflag:s19], $0x80  }
0x88: {  	[sflag:s19] =	ssyncset.done $0x0  }
0x89: {  	[sflag:s19] =	ssyncadd.s32 $0xFFFFFF80  }
0x8a: {  	_ =	swait.ge [sflag:s19], $0x80  }
0x8b: {  	[sflag:s19] =	ssyncset.done $0x0  }
0x8c: {  	[sflag:s19] =	ssyncadd.s32 $0xFFFFFF80  }
0x8d: {  	_ =	swait.ge [sflag:s19], $0x80  }
0x8e: {  	[sflag:s19] =	ssyncset.done $0x0  }
0x8f: {  	[sflag:s19] =	ssyncadd.s32 $0xFFFFFF80  }
0x90: {  	_ =	swait.ge [sflag:s19], $0x80  }
0x91: {  	[sflag:s19] =	ssyncset.done $0x0  }
0x92: {  	[sflag:s19] =	ssyncadd.s32 $0xFFFFFF80  }
0x93: {  	_ =	swait.ge [sflag:s19], $0x80  }
0x94: {  	[sflag:s19] =	ssyncset.done $0x0  }
0x95: {  	[sflag:s19] =	ssyncadd.s32 $0xFFFFFF80  }
0x96: {  	_ =	swait.ge [sflag:s19], $0x80  }
0x97: {  	s21 =	simm.s32 @!p0 $0x1;
	[sflag:s19] =	ssyncset.done $0x0  }
0x98: {  	s22 =	simm.s32 @!p0 $0x20;
	s23 =	simm.s32 @!p0 $0x10;
	[sflag:s19] =	ssyncadd.s32 $0xFFFFFF80  }
0x99: {  	s24 =	simm.s32 @!p0 $0x1C03;
	s20 =	sadd.s32 $0x1, s20;
	[bflag:$0x0] =	sbarrier.arrive $0xFFFF  }
0x9a: {  	[hbm:s7@s22], [sflag:s24] =	dma.strided @!p0 [spmem:s9@s23], $0x4F0, s21, $0x10   }
0x9b: {  	p1 =	sne.s32 s20, s8;
	s21 =	simm.s32 @!p0 $0x3  }
.Ltmp2:
0x9c: {  	_ =	swait.ge @!p0 [sflag:s21], $0x4F0;
	(pc) =	sbr.rel @p1 .LBB2_1-.Ltmp2, $3  }
0x9d: {  	[sflag:s21] =	ssyncset.done @!p0 $0x0  }
0x9e: {  	[sflag:s21] =	ssyncadd.s32 @!p0 $0xFFFFFB10  }
0x9f: {  	[bflag:$0x0] =	sbarrier.arrive $0xFFFF;
	_ =	sdelay $0x1  }
0xa0: {  	_ =	sfence.sel $0x180000  }
0xa1: {  	[bflag:$0x0] =	sbarrier.arrive $0xFFFF  }
0xa2: {  	_ =	strace $0x90000047  }
0xa3: {  	s0 =	sadd.s32 @!p0 $0x100000, s1;
	[bflag:$0x2] =	sbarrier.arrive $0xFFFF  }
0xa4: {  	[sflag:s0] =	ssyncadd.tile.s32 @!p0 $0x1;
	_ =	shalt  }
.Lfunc_end2:
_tile_overlayer_lowered:
.L_overlay_start_2:
0xa5: {  	(tag) =	ssettag $0x2  }
0xa6: {  	s0 =	rddreg [dreg:$0x0];
	s2 =	stileid.u32  }
0xa7: {  	s1 =	rddreg [dreg:$0x1];
	p0 =	sne.s32 s2, $0x0  }
0xa8: {  	s3 =	rddreg [dreg:$0x2];
	[bflag:$0x3] =	sbarrier.arrive $0xFFFF;
	s2 =	simm.s32 @!p0 $0x1C03  }
0xa9: {  	[timem:s3], [sflag:s2] =	dma.local @!p0 [hbm:s0], s1  }
0xaa: {  	s0 =	simm.s32 @!p0 $0x3  }
0xab: {  	_ =	swait.ge @!p0 [sflag:s0], s1  }
0xac: {  	s1 =	ssub.s32 @!p0 $0x0, s1;
	[sflag:s0] =	ssyncset.done @!p0 $0x0  }
0xad: {  	[sflag:s0] =	ssyncadd.s32 @!p0 s1  }
0xae: {  	[bflag:$0x3] =	sbarrier.arrive $0xFFFF  }
0xaf: {  	_ =	shalt  }

</sc_bundles>
